<compile_context>
chip_gen: v7x
topology: tpu7x:2x2x1
jax: 0.10.2.dev20260603
libtpu: 0.0.44.dev20260713+nightly
codegen_flags: <defaults>
</compile_context>

<pallas_src>
import functools

import jax
import jax.numpy as jnp
from jax import lax
from jax.experimental import pallas as pl
from jax.experimental.pallas import tpu as pltpu
from jax.experimental.pallas import tpu_sc as plsc

F32 = jnp.float32
BF16 = jnp.bfloat16


def _bdot(a, b, dims=(((1,), (0,)), ((), ()))):
    return lax.dot_general(a.astype(BF16), b.astype(BF16), dims,
                           preferred_element_type=F32)
B = 4
R = 896
KC = 2048
N_EMB = 8192



def _mm_body(p_ref, w_ref, b_ref, o_ref, *, relu):
    acc = _bdot(p_ref[...], w_ref[...]) + b_ref[...]
    if relu:
        acc = jnp.maximum(acc, 0.0)
    o_ref[...] = acc.astype(o_ref.dtype)


def _mm(p, w, b, relu, grid, out_dtype=F32):
    m, k = p.shape
    n = w.shape[1]
    bm = m // grid
    return pl.pallas_call(
        functools.partial(_mm_body, relu=relu),
        grid=(grid,),
        in_specs=[pl.BlockSpec((bm, k), lambda i: (i, 0)),
                  pl.BlockSpec((k, n), lambda i: (0, 0)),
                  pl.BlockSpec((1, n), lambda i: (0, 0))],
        out_specs=pl.BlockSpec((bm, n), lambda i: (i, 0)),
        out_shape=jax.ShapeDtypeStruct((m, n), out_dtype),
    )(p, w, b)



def _quant_body(p_ref, w_ref, b_ref, e0_ref, e1_ref, am0_ref, am1_ref,
                colsq_ref, es_ref):
    @pl.when(pl.program_id(0) == 0)
    def _():
        for cb, e_ref in enumerate((e0_ref, e1_ref)):
            e = e_ref[...]
            colsq_ref[cb:cb + 1, :] = jnp.sum(e ** 2, axis=0, keepdims=True)
            for t in range(3):
                et = e.astype(BF16)
                es_ref[96 * cb + 32 * t:96 * cb + 32 * (t + 1), :] = et
                e = e - et.astype(F32)

    z = _bdot(p_ref[...], w_ref[...]) + b_ref[...]
    for cb, am_ref in enumerate((am0_ref, am1_ref)):
        flat = z[:, 32 * cb:32 * (cb + 1)]
        fb = flat.astype(BF16)
        rowsq = jnp.sum(flat ** 2, axis=1, keepdims=True)
        best_v = jnp.full((R, 1), jnp.inf, F32)
        best_i = jnp.zeros((R, 1), jnp.int32)
        dims = (((1,), (0,)), ((), ()))
        for t in range(N_EMB // KC):
            mm = lax.dot_general(fb, es_ref[96 * cb:96 * cb + 32, t * KC:(t + 1) * KC],
                                 dims, preferred_element_type=F32)
            for part in (1, 2):
                mm = mm + lax.dot_general(
                    fb, es_ref[96 * cb + 32 * part:96 * cb + 32 * (part + 1),
                               t * KC:(t + 1) * KC],
                    dims, preferred_element_type=F32)
            d = (rowsq - 2.0 * mm) + colsq_ref[cb:cb + 1, t * KC:(t + 1) * KC]
            m = jnp.min(d, axis=1, keepdims=True)
            ii = lax.broadcasted_iota(jnp.int32, (R, KC), 1)
            li = jnp.min(jnp.where(d == m, ii, KC), axis=1, keepdims=True) + t * KC
            upd = m < best_v
            best_v = jnp.where(upd, m, best_v)
            best_i = jnp.where(upd, li, best_i)
        am_ref[...] = best_i


def _quantize(p2, w2, b2, embed0, embed1):
    nrows = p2.shape[0]
    grid = nrows // R
    return pl.pallas_call(
        _quant_body,
        grid=(grid,),
        in_specs=[pl.BlockSpec((R, 512), lambda i: (i, 0)),
                  pl.BlockSpec((512, 64), lambda i: (0, 0)),
                  pl.BlockSpec((1, 64), lambda i: (0, 0)),
                  pl.BlockSpec((32, N_EMB), lambda i: (0, 0)),
                  pl.BlockSpec((32, N_EMB), lambda i: (0, 0))],
        out_specs=[pl.BlockSpec((R, 1), lambda i: (i, 0)),
                   pl.BlockSpec((R, 1), lambda i: (i, 0))],
        out_shape=[jax.ShapeDtypeStruct((nrows, 1), jnp.int32),
                   jax.ShapeDtypeStruct((nrows, 1), jnp.int32)],
        scratch_shapes=[pltpu.VMEM((2, N_EMB), F32),
                        pltpu.VMEM((192, N_EMB), BF16)],
    )(p2, w2, b2, embed0, embed1)



def _sc_gather(t0, t1, i0, i1):
    d = 128
    t0 = jnp.pad(t0, ((0, 0), (0, d - t0.shape[1])))
    t1 = jnp.pad(t1, ((0, 0), (0, d - t1.shape[1])))
    nidx = i0.shape[0]
    info = plsc.get_sparse_core_info()
    nc, ns = info.num_cores, info.num_subcores
    nw = nc * ns
    bpw = nidx // nw
    ck = 56
    ncks = bpw // ck
    mesh = plsc.VectorSubcoreMesh(core_axis_name="c", subcore_axis_name="s")

    @functools.partial(
        pl.kernel, mesh=mesh,
        out_type=[jax.ShapeDtypeStruct((nidx, d), F32),
                  jax.ShapeDtypeStruct((nidx, d), F32)],
        scratch_types=[pltpu.VMEM((ncks, ck), jnp.int32),
                       pltpu.VMEM((ncks, ck, d), F32),
                       pltpu.SemaphoreType.DMA],
    )
    def gk(t0_h, t1_h, i0_h, i1_h, o0_h, o1_h, idx_v, rows_v, sem):
        wid = lax.axis_index("s") * nc + lax.axis_index("c")
        base = wid * bpw
        for t_h, i_h, o_h in ((t0_h, i0_h, o0_h), (t1_h, i1_h, o1_h)):
            for j in range(ncks):
                pltpu.sync_copy(i_h.at[pl.ds(base + j * ck, ck)], idx_v.at[j])
            descs = [pltpu.async_copy(t_h.at[idx_v.at[j]], rows_v.at[j], sem)
                     for j in range(ncks)]
            for dd in descs:
                dd.wait()
            for j in range(ncks):
                pltpu.sync_copy(rows_v.at[j], o_h.at[pl.ds(base + j * ck, ck)])

    o0, o1 = gk(t0, t1, i0, i1)
    return o0[:, :32], o1[:, :32]



def _patches_s2(a):
    bb, h, _, c = a.shape
    ap = jnp.pad(a, ((0, 0), (1, 1), (1, 1), (0, 0)))
    sl = [ap[:, di:di + h - 1:2, dj:dj + h - 1:2, :]
          for di in range(4) for dj in range(4)]
    return jnp.stack(sl, axis=3).reshape(bb * (h // 2) ** 2, 16 * c)


def _patches_n3(a):
    bb, h, _, c = a.shape
    ap = jnp.pad(a, ((0, 0), (1, 1), (1, 1), (0, 0)))
    sl = [ap[:, a0:a0 + h, b0:b0 + h, :] for a0 in range(3) for b0 in range(3)]
    return jnp.stack(sl, axis=3).reshape(bb * h * h, 9 * c)


_TAPS = (((-1, 0), (0, 2)), ((0, 1), (1, 3)))


def _build_dec_w(w):
    o, c = w.shape[0], w.shape[1]
    wd = jnp.zeros((3, 3, c, 2, 2, o), F32)
    for r in (0, 1):
        for s in (0, 1):
            for (a, ka) in _TAPS[r]:
                for (b2, kb) in _TAPS[s]:
                    wd = wd.at[a + 1, b2 + 1, :, r, s, :].set(jnp.transpose(w[:, :, ka, kb]))
    return wd.reshape(9 * c, 4 * o)


def _deinterleave(od, h, o):
    t = od.reshape(B, h, h, 2, 2, o).transpose(0, 1, 3, 2, 4, 5)
    return t.reshape(B, 2 * h, 2 * h, o)



def kernel(x, enc_w1, enc_b1, enc_w2, enc_b2, embed0, embed1,
           dec_w1, dec_b1, dec_w2, dec_b2):
    xn = jnp.transpose(x, (0, 2, 3, 1))
    p1 = _patches_s2(xn)
    w1 = jnp.transpose(enc_w1, (2, 3, 1, 0)).reshape(48, 32)
    h1 = _mm(p1, w1, enc_b1.reshape(1, 32), relu=True, grid=8)

    p2 = _patches_s2(h1.reshape(B, 112, 112, 32))
    w2 = jnp.transpose(enc_w2, (2, 3, 1, 0)).reshape(512, 64)
    z = _mm(p2, w2, enc_b2.reshape(1, 64), relu=False, grid=7)

    z_nchw = jnp.transpose(z.reshape(B, 56, 56, 64), (0, 3, 1, 2))
    z0, z1 = jnp.split(z_nchw, 2, axis=1)
    qs = []
    for zc, embed in ((z0, embed0), (z1, embed1)):
        flat = jnp.transpose(zc, (0, 2, 3, 1)).reshape(-1, 32)
        dist = ((flat ** 2).sum(1, keepdims=True) - 2.0 * (flat @ embed)
                + (embed ** 2).sum(0, keepdims=True))
        argmin = jnp.argmin(dist, axis=1)
        q = jnp.take(embed.T, argmin, axis=0).reshape(B, 56, 56, 32)
        q = jnp.transpose(q, (0, 3, 1, 2))
        qs.append(zc + lax.stop_gradient(q - zc))
    zq = jnp.concatenate(qs, axis=1)
    zq = jnp.transpose(zq, (0, 2, 3, 1)).reshape(B, 56, 56, 64)

    pd1 = _patches_n3(zq.astype(BF16))
    wd1 = _build_dec_w(dec_w1)
    od1 = _mm(pd1, wd1, jnp.tile(dec_b1, 4).reshape(1, 128), relu=True, grid=7,
              out_dtype=BF16)
    h2 = _deinterleave(od1, 56, 32)

    pd2 = _patches_n3(h2)
    wd2 = _build_dec_w(dec_w2)
    od2 = _mm(pd2, wd2, jnp.tile(dec_b2, 4).reshape(1, 12), relu=False, grid=8)
    out = _deinterleave(od2, 112, 3)
    return jnp.transpose(out, (0, 3, 1, 2))

# --- scband reference (transcript-rebuilt; emitter-appended) ---
"""Pipeline reference for scband-qlayer-15161234554906 (READ-ONLY COPY).

The authoritative reference and input builder live on the scoring server;
editing this copy changes nothing except your own understanding.
"""

import jax, jax.numpy as jnp
import numpy as np

B, C_IN, HW = 4, 3, 224
EMBED_DIM, NUM_CODEBOOKS, N_EMBED = 64, 2, 8192
CODE_DIM = EMBED_DIM // NUM_CODEBOOKS
H_ENC = 32
DN = ('NCHW', 'OIHW', 'NCHW')


def setup_inputs(seed: int = 0):
    key = jax.random.key(seed)
    ks = jax.random.split(key, 8)
    x = jax.random.normal(ks[0], (B, C_IN, HW, HW), jnp.float32)
    enc_w1 = jax.random.normal(ks[1], (H_ENC, C_IN, 4, 4), jnp.float32) * 0.05
    enc_b1 = jnp.zeros((H_ENC,), jnp.float32)
    enc_w2 = jax.random.normal(ks[2], (EMBED_DIM, H_ENC, 4, 4), jnp.float32) * 0.05
    enc_b2 = jnp.zeros((EMBED_DIM,), jnp.float32)
    embed0 = jax.random.normal(ks[3], (CODE_DIM, N_EMBED), jnp.float32)
    embed1 = jax.random.normal(ks[4], (CODE_DIM, N_EMBED), jnp.float32)
    dec_w1 = jax.random.normal(ks[5], (H_ENC, EMBED_DIM, 4, 4), jnp.float32) * 0.05
    dec_b1 = jnp.zeros((H_ENC,), jnp.float32)
    dec_w2 = jax.random.normal(ks[6], (C_IN, H_ENC, 4, 4), jnp.float32) * 0.05
    dec_b2 = jnp.zeros((C_IN,), jnp.float32)
    return {"x": x, "enc_w1": enc_w1, "enc_b1": enc_b1, "enc_w2": enc_w2, "enc_b2": enc_b2,
            "embed0": embed0, "embed1": embed1,
            "dec_w1": dec_w1, "dec_b1": dec_b1, "dec_w2": dec_w2, "dec_b2": dec_b2}


def _quantize(z, embed):
    # z: [B, C, H, W]; embed: [C, K] (rosinality-style layout: dim x n_embed)
    b, c, h, w = z.shape
    flat = jnp.transpose(z, (0, 2, 3, 1)).reshape(-1, c)
    dist = (flat ** 2).sum(1, keepdims=True) - 2.0 * (flat @ embed) + (embed ** 2).sum(0, keepdims=True)
    argmin = jnp.argmin(dist, axis=1)
    q = jnp.take(embed.T, argmin, axis=0).reshape(b, h, w, c)
    q = jnp.transpose(q, (0, 3, 1, 2))
    diff = jnp.mean((jax.lax.stop_gradient(q) - z) ** 2)
    q_st = z + jax.lax.stop_gradient(q - z)
    counts = jnp.bincount(argmin, length=embed.shape[1]).astype(jnp.float32)
    avg = counts / flat.shape[0]
    ppl = jnp.exp(-jnp.sum(avg * jnp.log(avg + 1e-10)))
    return q_st, diff, argmin, ppl


def reference(x, enc_w1, enc_b1, enc_w2, enc_b2, embed0, embed1, dec_w1, dec_b1, dec_w2, dec_b2):
    # up(): encoder -> per-codebook quantize -> concat
    h = jax.lax.conv_general_dilated(x, enc_w1, (2, 2), 'SAME', dimension_numbers=DN) + enc_b1[None, :, None, None]
    h = jax.nn.relu(h)
    z_e = jax.lax.conv_general_dilated(h, enc_w2, (2, 2), 'SAME', dimension_numbers=DN) + enc_b2[None, :, None, None]
    z0, z1 = jnp.split(z_e, NUM_CODEBOOKS, axis=1)
    q0, d0, a0, p0 = _quantize(z0, embed0)
    q1, d1, a1, p1 = _quantize(z1, embed1)
    z_q = jnp.concatenate([q0, q1], axis=1)
    # down(): decoder
    h = jax.lax.conv_transpose(z_q, dec_w1, (2, 2), 'SAME', dimension_numbers=DN) + dec_b1[None, :, None, None]
    h = jax.nn.relu(h)
    out = jax.lax.conv_transpose(h, dec_w2, (2, 2), 'SAME', dimension_numbers=DN) + dec_b2[None, :, None, None]
    return out

if __name__ == "__main__":
    import jax
    _d = setup_inputs()
    print(jax.jit(kernel)(*tuple(_d.values())))

</pallas_src>

<mosaic_0001>
module attributes {stable_mosaic.version = 14 : i64} {
  func.func @_mm_body(%arg0: i32, %arg1: memref<6272x48xf32, #tpu.memory_space<vmem>>, %arg2: memref<48x32xf32, #tpu.memory_space<vmem>>, %arg3: memref<1x32xf32, #tpu.memory_space<vmem>>, %arg4: memref<6272x32xf32, #tpu.memory_space<vmem>>) attributes {dimension_semantics = [#tpu.dimension_semantics<arbitrary>], iteration_bounds = array<i64: 8>, scalar_prefetch = 0 : i64, scratch_operands = 0 : i64, tpu.core_type = #tpu.core_type<tc>, window_params = [{transform_indices = @transform_0, window_bounds = array<i64: 6272, 48>}, {pipeline_mode = #tpu.pipeline_mode<synchronous>, transform_indices = @transform_1, window_bounds = array<i64: 48, 32>}, {pipeline_mode = #tpu.pipeline_mode<synchronous>, transform_indices = @transform_2, window_bounds = array<i64: 1, 32>}, {transform_indices = @transform_3, window_bounds = array<i64: 6272, 32>}]} {
    %get3A = arith.constant 0 : index
    %get3A_0 = arith.constant 0 : index
    %get3A_1 = vector.load %arg1[%get3A, %get3A_0] : memref<6272x48xf32, #tpu.memory_space<vmem>>, vector<6272x48xf32>
    %get3A_2 = arith.constant 0 : index
    %get3A_3 = arith.constant 0 : index
    %get3A_4 = vector.load %arg2[%get3A_2, %get3A_3] : memref<48x32xf32, #tpu.memory_space<vmem>>, vector<48x32xf32>
    %convert_element_type3A = arith.truncf %get3A_1 : vector<6272x48xf32> to vector<6272x48xbf16>
    %convert_element_type3A_5 = arith.truncf %get3A_4 : vector<48x32xf32> to vector<48x32xbf16>
    %dot_general3A = arith.constant dense<0.000000e+00> : vector<6272x32xf32>
    %dot_general3A_6 = tpu.matmul %convert_element_type3A, %convert_element_type3A_5, %dot_general3A {dimension_numbers = #tpu.dot_dimension_numbers<[1], [0], [0], [1], [0, 0, 1, 1], [], []>, transpose_lhs_hint = false} : vector<6272x48xbf16>, vector<48x32xbf16>, vector<6272x32xf32> -> vector<6272x32xf32>
    %get3A_7 = arith.constant 0 : index
    %get3A_8 = arith.constant 0 : index
    %get3A_9 = vector.load %arg3[%get3A_7, %get3A_8] : memref<1x32xf32, #tpu.memory_space<vmem>>, vector<1x32xf32>
    %add3A = vector.broadcast %get3A_9 : vector<1x32xf32> to vector<6272x32xf32>
    %add3A_10 = arith.addf %dot_general3A_6, %add3A : vector<6272x32xf32>
    %max3A = arith.constant 0.000000e+00 : f32
    %max3A_11 = vector.broadcast %max3A : f32 to vector<6272x32xf32>
    %max3A_12 = arith.maximumf %add3A_10, %max3A_11 : vector<6272x32xf32>
    %swap3A = arith.constant 0 : index
    %swap3A_13 = arith.constant 0 : index
    %swap3A_14 = vector.load %arg4[%swap3A, %swap3A_13] : memref<6272x32xf32, #tpu.memory_space<vmem>>, vector<6272x32xf32>
    tpu.vector_store %arg4[%swap3A, %swap3A_13], %max3A_12 {strides = array<i32>} : memref<6272x32xf32, #tpu.memory_space<vmem>>, vector<6272x32xf32>,
    return
  }
  func.func @transform_0(%arg0: i32) -> (i32, i32) {
    %c0_i32 = arith.constant 0 : i32
    %c0_i32_0 = arith.constant 0 : i32
    return %arg0, %c0_i32 : i32, i32
  }
  func.func @transform_1(%arg0: i32) -> (i32, i32) {
    %c0_i32 = arith.constant 0 : i32
    %c0_i32_0 = arith.constant 0 : i32
    %c0_i32_1 = arith.constant 0 : i32
    return %c0_i32, %c0_i32_0 : i32, i32
  }
  func.func @transform_2(%arg0: i32) -> (i32, i32) {
    %c0_i32 = arith.constant 0 : i32
    %c0_i32_0 = arith.constant 0 : i32
    %c0_i32_1 = arith.constant 0 : i32
    return %c0_i32, %c0_i32_0 : i32, i32
  }
  func.func @transform_3(%arg0: i32) -> (i32, i32) {
    %c0_i32 = arith.constant 0 : i32
    %c0_i32_0 = arith.constant 0 : i32
    return %arg0, %c0_i32 : i32, i32
  }
}

module attributes {stable_mosaic.version = 14 : i64} {
  func.func @_mm_body(%arg0: i32, %arg1: memref<1792x512xf32, #tpu.memory_space<vmem>>, %arg2: memref<512x64xf32, #tpu.memory_space<vmem>>, %arg3: memref<1x64xf32, #tpu.memory_space<vmem>>, %arg4: memref<1792x64xf32, #tpu.memory_space<vmem>>) attributes {dimension_semantics = [#tpu.dimension_semantics<arbitrary>], iteration_bounds = array<i64: 7>, scalar_prefetch = 0 : i64, scratch_operands = 0 : i64, tpu.core_type = #tpu.core_type<tc>, window_params = [{transform_indices = @transform_0, window_bounds = array<i64: 1792, 512>}, {pipeline_mode = #tpu.pipeline_mode<synchronous>, transform_indices = @transform_1, window_bounds = array<i64: 512, 64>}, {pipeline_mode = #tpu.pipeline_mode<synchronous>, transform_indices = @transform_2, window_bounds = array<i64: 1, 64>}, {transform_indices = @transform_3, window_bounds = array<i64: 1792, 64>}]} {
    %get3A = arith.constant 0 : index
    %get3A_0 = arith.constant 0 : index
    %get3A_1 = vector.load %arg1[%get3A, %get3A_0] : memref<1792x512xf32, #tpu.memory_space<vmem>>, vector<1792x512xf32>
    %get3A_2 = arith.constant 0 : index
    %get3A_3 = arith.constant 0 : index
    %get3A_4 = vector.load %arg2[%get3A_2, %get3A_3] : memref<512x64xf32, #tpu.memory_space<vmem>>, vector<512x64xf32>
    %convert_element_type3A = arith.truncf %get3A_1 : vector<1792x512xf32> to vector<1792x512xbf16>
    %convert_element_type3A_5 = arith.truncf %get3A_4 : vector<512x64xf32> to vector<512x64xbf16>
    %dot_general3A = arith.constant dense<0.000000e+00> : vector<1792x64xf32>
    %dot_general3A_6 = tpu.matmul %convert_element_type3A, %convert_element_type3A_5, %dot_general3A {dimension_numbers = #tpu.dot_dimension_numbers<[1], [0], [0], [1], [0, 0, 1, 1], [], []>, transpose_lhs_hint = false} : vector<1792x512xbf16>, vector<512x64xbf16>, vector<1792x64xf32> -> vector<1792x64xf32>
    %get3A_7 = arith.constant 0 : index
    %get3A_8 = arith.constant 0 : index
    %get3A_9 = vector.load %arg3[%get3A_7, %get3A_8] : memref<1x64xf32, #tpu.memory_space<vmem>>, vector<1x64xf32>
    %add3A = vector.broadcast %get3A_9 : vector<1x64xf32> to vector<1792x64xf32>
    %add3A_10 = arith.addf %dot_general3A_6, %add3A : vector<1792x64xf32>
    %swap3A = arith.constant 0 : index
    %swap3A_11 = arith.constant 0 : index
    %swap3A_12 = vector.load %arg4[%swap3A, %swap3A_11] : memref<1792x64xf32, #tpu.memory_space<vmem>>, vector<1792x64xf32>
    tpu.vector_store %arg4[%swap3A, %swap3A_11], %add3A_10 {strides = array<i32>} : memref<1792x64xf32, #tpu.memory_space<vmem>>, vector<1792x64xf32>,
    return
  }
  func.func @transform_0(%arg0: i32) -> (i32, i32) {
    %c0_i32 = arith.constant 0 : i32
    %c0_i32_0 = arith.constant 0 : i32
    return %arg0, %c0_i32 : i32, i32
  }
  func.func @transform_1(%arg0: i32) -> (i32, i32) {
    %c0_i32 = arith.constant 0 : i32
    %c0_i32_0 = arith.constant 0 : i32
    %c0_i32_1 = arith.constant 0 : i32
    return %c0_i32, %c0_i32_0 : i32, i32
  }
  func.func @transform_2(%arg0: i32) -> (i32, i32) {
    %c0_i32 = arith.constant 0 : i32
    %c0_i32_0 = arith.constant 0 : i32
    %c0_i32_1 = arith.constant 0 : i32
    return %c0_i32, %c0_i32_0 : i32, i32
  }
  func.func @transform_3(%arg0: i32) -> (i32, i32) {
    %c0_i32 = arith.constant 0 : i32
    %c0_i32_0 = arith.constant 0 : i32
    return %arg0, %c0_i32 : i32, i32
  }
}

module attributes {stable_mosaic.version = 14 : i64} {
  func.func @_mm_body(%arg0: i32, %arg1: memref<1792x576xbf16, #tpu.memory_space<vmem>>, %arg2: memref<576x128xf32, #tpu.memory_space<vmem>>, %arg3: memref<1x128xf32, #tpu.memory_space<vmem>>, %arg4: memref<1792x128xbf16, #tpu.memory_space<vmem>>) attributes {dimension_semantics = [#tpu.dimension_semantics<arbitrary>], iteration_bounds = array<i64: 7>, scalar_prefetch = 0 : i64, scratch_operands = 0 : i64, tpu.core_type = #tpu.core_type<tc>, window_params = [{transform_indices = @transform_0, window_bounds = array<i64: 1792, 576>}, {pipeline_mode = #tpu.pipeline_mode<synchronous>, transform_indices = @transform_1, window_bounds = array<i64: 576, 128>}, {pipeline_mode = #tpu.pipeline_mode<synchronous>, transform_indices = @transform_2, window_bounds = array<i64: 1, 128>}, {transform_indices = @transform_3, window_bounds = array<i64: 1792, 128>}]} {
    %get3A = arith.constant 0 : index
    %get3A_0 = arith.constant 0 : index
    %get3A_1 = vector.load %arg1[%get3A, %get3A_0] : memref<1792x576xbf16, #tpu.memory_space<vmem>>, vector<1792x576xbf16>
    %get3A_2 = arith.constant 0 : index
    %get3A_3 = arith.constant 0 : index
    %get3A_4 = vector.load %arg2[%get3A_2, %get3A_3] : memref<576x128xf32, #tpu.memory_space<vmem>>, vector<576x128xf32>
    %convert_element_type3A = arith.truncf %get3A_4 : vector<576x128xf32> to vector<576x128xbf16>
    %dot_general3A = arith.constant dense<0.000000e+00> : vector<1792x128xf32>
    %dot_general3A_5 = tpu.matmul %get3A_1, %convert_element_type3A, %dot_general3A {dimension_numbers = #tpu.dot_dimension_numbers<[1], [0], [0], [1], [0, 0, 1, 1], [], []>, transpose_lhs_hint = false} : vector<1792x576xbf16>, vector<576x128xbf16>, vector<1792x128xf32> -> vector<1792x128xf32>
    %get3A_6 = arith.constant 0 : index
    %get3A_7 = arith.constant 0 : index
    %get3A_8 = vector.load %arg3[%get3A_6, %get3A_7] : memref<1x128xf32, #tpu.memory_space<vmem>>, vector<1x128xf32>
    %add3A = vector.broadcast %get3A_8 : vector<1x128xf32> to vector<1792x128xf32>
    %add3A_9 = arith.addf %dot_general3A_5, %add3A : vector<1792x128xf32>
    %max3A = arith.constant 0.000000e+00 : f32
    %max3A_10 = vector.broadcast %max3A : f32 to vector<1792x128xf32>
    %max3A_11 = arith.maximumf %add3A_9, %max3A_10 : vector<1792x128xf32>
    %convert_element_type3A_12 = arith.truncf %max3A_11 : vector<1792x128xf32> to vector<1792x128xbf16>
    %swap3A = arith.constant 0 : index
    %swap3A_13 = arith.constant 0 : index
    %swap3A_14 = vector.load %arg4[%swap3A, %swap3A_13] : memref<1792x128xbf16, #tpu.memory_space<vmem>>, vector<1792x128xbf16>
    tpu.vector_store %arg4[%swap3A, %swap3A_13], %convert_element_type3A_12 {strides = array<i32>} : memref<1792x128xbf16, #tpu.memory_space<vmem>>, vector<1792x128xbf16>,
    return
  }
  func.func @transform_0(%arg0: i32) -> (i32, i32) {
    %c0_i32 = arith.constant 0 : i32
    %c0_i32_0 = arith.constant 0 : i32
    return %arg0, %c0_i32 : i32, i32
  }
  func.func @transform_1(%arg0: i32) -> (i32, i32) {
    %c0_i32 = arith.constant 0 : i32
    %c0_i32_0 = arith.constant 0 : i32
    %c0_i32_1 = arith.constant 0 : i32
    return %c0_i32, %c0_i32_0 : i32, i32
  }
  func.func @transform_2(%arg0: i32) -> (i32, i32) {
    %c0_i32 = arith.constant 0 : i32
    %c0_i32_0 = arith.constant 0 : i32
    %c0_i32_1 = arith.constant 0 : i32
    return %c0_i32, %c0_i32_0 : i32, i32
  }
  func.func @transform_3(%arg0: i32) -> (i32, i32) {
    %c0_i32 = arith.constant 0 : i32
    %c0_i32_0 = arith.constant 0 : i32
    return %arg0, %c0_i32 : i32, i32
  }
}

module attributes {stable_mosaic.version = 14 : i64} {
  func.func @_mm_body(%arg0: i32, %arg1: memref<6272x288xbf16, #tpu.memory_space<vmem>>, %arg2: memref<288x12xf32, #tpu.memory_space<vmem>>, %arg3: memref<1x12xf32, #tpu.memory_space<vmem>>, %arg4: memref<6272x12xf32, #tpu.memory_space<vmem>>) attributes {dimension_semantics = [#tpu.dimension_semantics<arbitrary>], iteration_bounds = array<i64: 8>, scalar_prefetch = 0 : i64, scratch_operands = 0 : i64, tpu.core_type = #tpu.core_type<tc>, window_params = [{transform_indices = @transform_0, window_bounds = array<i64: 6272, 288>}, {pipeline_mode = #tpu.pipeline_mode<synchronous>, transform_indices = @transform_1, window_bounds = array<i64: 288, 12>}, {pipeline_mode = #tpu.pipeline_mode<synchronous>, transform_indices = @transform_2, window_bounds = array<i64: 1, 12>}, {transform_indices = @transform_3, window_bounds = array<i64: 6272, 12>}]} {
    %get3A = arith.constant 0 : index
    %get3A_0 = arith.constant 0 : index
    %get3A_1 = vector.load %arg1[%get3A, %get3A_0] : memref<6272x288xbf16, #tpu.memory_space<vmem>>, vector<6272x288xbf16>
    %get3A_2 = arith.constant 0 : index
    %get3A_3 = arith.constant 0 : index
    %get3A_4 = vector.load %arg2[%get3A_2, %get3A_3] : memref<288x12xf32, #tpu.memory_space<vmem>>, vector<288x12xf32>
    %convert_element_type3A = arith.truncf %get3A_4 : vector<288x12xf32> to vector<288x12xbf16>
    %dot_general3A = arith.constant dense<0.000000e+00> : vector<6272x12xf32>
    %dot_general3A_5 = tpu.matmul %get3A_1, %convert_element_type3A, %dot_general3A {dimension_numbers = #tpu.dot_dimension_numbers<[1], [0], [0], [1], [0, 0, 1, 1], [], []>, transpose_lhs_hint = false} : vector<6272x288xbf16>, vector<288x12xbf16>, vector<6272x12xf32> -> vector<6272x12xf32>
    %get3A_6 = arith.constant 0 : index
    %get3A_7 = arith.constant 0 : index
    %get3A_8 = vector.load %arg3[%get3A_6, %get3A_7] : memref<1x12xf32, #tpu.memory_space<vmem>>, vector<1x12xf32>
    %add3A = vector.broadcast %get3A_8 : vector<1x12xf32> to vector<6272x12xf32>
    %add3A_9 = arith.addf %dot_general3A_5, %add3A : vector<6272x12xf32>
    %swap3A = arith.constant 0 : index
    %swap3A_10 = arith.constant 0 : index
    %swap3A_11 = vector.load %arg4[%swap3A, %swap3A_10] : memref<6272x12xf32, #tpu.memory_space<vmem>>, vector<6272x12xf32>
    tpu.vector_store %arg4[%swap3A, %swap3A_10], %add3A_9 {strides = array<i32>} : memref<6272x12xf32, #tpu.memory_space<vmem>>, vector<6272x12xf32>,
    return
  }
  func.func @transform_0(%arg0: i32) -> (i32, i32) {
    %c0_i32 = arith.constant 0 : i32
    %c0_i32_0 = arith.constant 0 : i32
    return %arg0, %c0_i32 : i32, i32
  }
  func.func @transform_1(%arg0: i32) -> (i32, i32) {
    %c0_i32 = arith.constant 0 : i32
    %c0_i32_0 = arith.constant 0 : i32
    %c0_i32_1 = arith.constant 0 : i32
    return %c0_i32, %c0_i32_0 : i32, i32
  }
  func.func @transform_2(%arg0: i32) -> (i32, i32) {
    %c0_i32 = arith.constant 0 : i32
    %c0_i32_0 = arith.constant 0 : i32
    %c0_i32_1 = arith.constant 0 : i32
    return %c0_i32, %c0_i32_0 : i32, i32
  }
  func.func @transform_3(%arg0: i32) -> (i32, i32) {
    %c0_i32 = arith.constant 0 : i32
    %c0_i32_0 = arith.constant 0 : i32
    return %arg0, %c0_i32 : i32, i32
  }
}

</mosaic_0001>

<sc_bundles>
// kernel: gather_offload_async_start.1
scs
__scs_entry_jumppad:
0x0: {  	(pc) =	sbr.rel $0x88, $3  }
0x1: {  	(tag) =	ssettag $0x0;
	lr =	simm.s32 $0x1  }
0x2: {  	[smem:$0x3F96] =	sst lr;
	_ =	strace $0xD0000000  }
0x3: {  	_ = 	snop  }
0x4: {  	_ = 	snop  }
0x5: {  	_ = 	snop  }
0x6: {  	_ = 	snop  }
0x7: {  	_ = 	snop  }
__scs_overlays_trampoline_lowered:
0x8: {  	[smem:$0x3FA5] =	sst s0  }
0x9: {  	[smem:$0x3FA6] =	sst s1  }
0xa: {  	[smem:$0x3FA7] =	sst s2  }
0xb: {  	[smem:$0x3FA8] =	sst s3  }
0xc: {  	[smem:$0x3FA9] =	sst s4  }
0xd: {  	[smem:$0x3FAA] =	sst s5  }
0xe: {  	[smem:$0x3FAB] =	sst s6  }
0xf: {  	[smem:$0x3FAC] =	sst s7  }
0x10: {  	[smem:$0x3FAD] =	sst s8  }
0x11: {  	[smem:$0x3FAE] =	sst s9;
	s0 =	simm.s32 @!p0 $0x0  }
0x12: {  	s1 =	sld [smem:$0x3F94];
	s0 =	simm.s32 @p0 $0x1  }
0x13: {  	[smem:$0x3FAF] =	sst s0;
	s0 =	simm.s32 @!p1 $0x0  }
0x14: {  	s2 =	sld [smem:$0x3F93];
	s0 =	simm.s32 @p1 $0x1  }
0x15: {  	[smem:$0x3FB0] =	sst s0;
	s0 =	simm.s32 @!p2 $0x0  }
0x16: {  	s3 =	sld [smem:$0x3FDB];
	s0 =	simm.s32 @p2 $0x1  }
0x17: {  	s4 =	simm.s32 $0x1BF5;
	[smem:$0x3FB2] =	sst s0  }
0x18: {  	s0 =	sld [smem:$0x3F95];
	_ =	swait.ge [sflag:s4], $0x0  }
0x19: {  	s7 =	sld [smem:$0x3F96]  }
0x1a: {  	s8 =	sadd.s32 $0xFFFFE003, lr  }
0x1b: {  	s9 =	sadd.s32 $0xFFFFFEF7, lr;
	s5 =	simm.s32 $0xFFFFFFFF;
	p2 =	slt.u32 s8, $0xFFFFF086  }
0x1c: {  	p1 =	slt.u32 s9, $0xF7A;
	s5 =	simm.s32 @!p2 $0x0  }
0x1d: {  	s5 =	simm.s32 @p1 $0x1;
	p0 =	seq.s32 s7, s2  }
0x1e: {  	s7 =	smul.u32 @!p0 $0xF7A, s2;
	p2 =	seq.s32 @!p0 s5, $0x0  }
0x1f: {  	s9 =	smul.u32 $0xF7A, s1;
	s8 =	simm.s32 @!p0 $0x1BF5;
	p2 =	por !p2, p0  }
0x20: {  	[sflag:s8] =	ssyncset.s32 @!p0 $0xFFFFF086;
	s6 =	sadd.s32 @!p0 s3, s7;
	s7 =	simm.s32 @!p0 $0x108  }
0x21: {  	s3 =	sadd.s32 s3, s9;
	s6 =	sadd.s32 @!p0 $0x88, s6;
	s7 =	simm.s32 @p2 $0x1082  }
0x22: {  	[simem:s7], [sflag:s8] =	dma.local @!p0 [hbm:s6], $0xF7A  }
0x23: {  	s9 =	sor.u32 $0xD0000000, s2;
	s6 =	simm.s32 $0x108;
	_ =	swait.ge @!p0 [sflag:s8], $0x0  }
0x24: {  	s3 =	sadd.s32 $0x88, s3;
	s6 =	simm.s32 @!p1 $0x1082;
	[sflag:s4] =	ssyncset.s32 $0xFFFFF086  }
0x25: {  	[simem:s6], [sflag:s4] =	dma.local [hbm:s3], $0xF7A  }
0x26: {  	[smem:$0x3F96] =	sst s1;
	(tag) =	ssettag s2;
	_ =	strace s9  }
0x27: {  	s1 =	sld [smem:$0x3FA6]  }
0x28: {  	s2 =	sld [smem:$0x3FA7]  }
0x29: {  	s4 =	sld [smem:$0x3FA9]  }
0x2a: {  	p0 =	seq.s32 s5, $0x0;
	s5 =	sld [smem:$0x3FAA]  }
0x2b: {  	s6 =	sld [smem:$0x3FAB]  }
0x2c: {  	s7 =	sld [smem:$0x3FAC]  }
0x2d: {  	s3 =	simm.s32 $0x108;
	s8 =	sld [smem:$0x3FAD]  }
0x2e: {  	s3 =	simm.s32 @!p0 $0x1082;
	s9 =	sld [smem:$0x3FAE]  }
0x2f: {  	lr =	sadd.s32 s0, s3;
	s0 =	sld [smem:$0x3FA5]  }
0x30: {  	s3 =	sld [smem:$0x3FA8]  }
0x31: {  	[smem:$0x3FB1] =	sst s10  }
0x32: {  	s10 =	sld [smem:$0x3FAF];
	_ =	sdelay $0x3  }
0x33: {  	p0 =	seq.s32 s10, $0x1;
	s10 =	sld [smem:$0x3FB1];
	_ =	sdelay $0x3  }
0x34: {  	[smem:$0x3FB1] =	sst s10  }
0x35: {  	s10 =	sld [smem:$0x3FB0];
	_ =	sdelay $0x3  }
0x36: {  	p1 =	seq.s32 s10, $0x1;
	s10 =	sld [smem:$0x3FB1];
	_ =	sdelay $0x3  }
0x37: {  	[smem:$0x3FB1] =	sst s10  }
0x38: {  	s10 =	sld [smem:$0x3FB2]  }
0x39: {  	_ = 	snop;
	(pc) =	sbr.ind lr, $3  }
0x3a: {  	_ = 	snop  }
0x3b: {  	_ = 	snop  }
0x3c: {  	p2 =	seq.s32 s10, $0x1;
	s10 =	sld [smem:$0x3FB1]  }
0x3d: {  	_ =	shalt  }
0x3e: {  	_ =	shalt  }
0x3f: {  	_ =	shalt  }
0x40: {  	_ =	shalt  }
0x41: {  	_ =	shalt  }
0x42: {  	_ =	shalt  }
0x43: {  	_ =	shalt  }
0x44: {  	_ =	shalt  }
0x45: {  	_ =	shalt  }
0x46: {  	_ =	shalt  }
0x47: {  	_ =	shalt  }
0x48: {  	_ =	shalt  }
0x49: {  	_ =	shalt  }
0x4a: {  	_ =	shalt  }
0x4b: {  	_ =	shalt  }
0x4c: {  	_ =	shalt  }
0x4d: {  	_ =	shalt  }
0x4e: {  	_ =	shalt  }
0x4f: {  	_ =	shalt  }
0x50: {  	_ =	shalt  }
0x51: {  	_ =	shalt  }
0x52: {  	_ =	shalt  }
0x53: {  	_ =	shalt  }
0x54: {  	_ =	shalt  }
0x55: {  	_ =	shalt  }
0x56: {  	_ =	shalt  }
0x57: {  	_ =	shalt  }
0x58: {  	_ =	shalt  }
0x59: {  	_ =	shalt  }
0x5a: {  	_ =	shalt  }
0x5b: {  	_ =	shalt  }
0x5c: {  	_ =	shalt  }
0x5d: {  	_ =	shalt  }
0x5e: {  	_ =	shalt  }
0x5f: {  	_ =	shalt  }
0x60: {  	_ =	shalt  }
0x61: {  	_ =	shalt  }
0x62: {  	_ =	shalt  }
0x63: {  	_ =	shalt  }
0x64: {  	_ =	shalt  }
0x65: {  	_ =	shalt  }
0x66: {  	_ =	shalt  }
0x67: {  	_ =	shalt  }
0x68: {  	_ =	shalt  }
0x69: {  	_ =	shalt  }
0x6a: {  	_ =	shalt  }
0x6b: {  	_ =	shalt  }
0x6c: {  	_ =	shalt  }
0x6d: {  	_ =	shalt  }
0x6e: {  	_ =	shalt  }
0x6f: {  	_ =	shalt  }
0x70: {  	_ =	shalt  }
0x71: {  	_ =	shalt  }
0x72: {  	_ =	shalt  }
0x73: {  	_ =	shalt  }
0x74: {  	_ =	shalt  }
0x75: {  	_ =	shalt  }
0x76: {  	_ =	shalt  }
0x77: {  	_ =	shalt  }
0x78: {  	_ =	shalt  }
0x79: {  	_ =	shalt  }
0x7a: {  	_ =	shalt  }
0x7b: {  	_ =	shalt  }
0x7c: {  	_ =	shalt  }
0x7d: {  	_ =	shalt  }
0x7e: {  	_ =	shalt  }
0x7f: {  	_ =	shalt  }
0x80: {  	_ =	shalt  }
0x81: {  	_ =	shalt  }
0x82: {  	_ =	shalt  }
0x83: {  	_ =	shalt  }
0x84: {  	_ =	shalt  }
0x85: {  	_ =	shalt  }
0x86: {  	_ =	shalt  }
0x87: {  	_ =	shalt  }
.Lfunc_end0:
.L_simem_size_0:
called_computation.1_lowered:
.L_overlay_start_0:
0x88: {  	s2 =	sld [smem:$0x3FD9]  }
0x89: {  	s3 =	sld [smem:$0x3FFE];
	_ =	sdelay $0x1  }
0x8a: {  	s1 =	srdreg.scid  }
0x8b: {  	s0 =	sand.u32 $0x1, s1  }
0x8c: {  	s16 =	sshll.u32 s0, $0xA;
	s2 =	sadd.s32 s3, s2  }
0x8d: {  	s2 =	sadd.s32 s2, s16  }
0x8e: {  	[smem:$0x3FBD] =	sst s2  }
0x8f: {  	_ = 	snop  }
0x90: {  	(tm) =	ssettm $0x1  }
0x91: {  	s17 =	sld [smem:$0x3FFB];
	_ =	sdelay $0x3  }
0x92: {  	_ =	strace s17  }
0x93: {  	s2 =	sld [smem:$0x3FFC];
	_ =	sdelay $0x3  }
0x94: {  	_ =	strace s2  }
0x95: {  	s2 =	sld [smem:$0x3FFD];
	_ =	sdelay $0x3  }
0x96: {  	_ =	strace s2  }
0x97: {  	_ =	strace $0x8FFFFFFF  }
0x98: {  	s18 =	sld [smem:$0x3FDB];
	_ =	sdelay $0x1  }
0x99: {  	s19 =	simm.s32 $_scs_section_size  }
0x9a: {  	s4 =	simm.s32 $_size__tile_overlayer_lowered;
	s5 =	simm.s32 $_tile_overlayer_lowered  }
0x9b: {  	s22 =	simm.s32 $0x1BFF;
	s21 =	sshll.u32 s5, $0x1;
	s2 =	sadd.s32 s19, s18  }
0x9c: {  	s6 =	simm.s32 $0x0;
	s20 =	sshll.u32 s4, $0x1;
	s4 =	sadd.s32 s21, s2  }
0x9d: {  	[timem:s6], [sflag:s22] =	dma.local [hbm:s4], s20  }
0x9e: {  	_ =	swait.ge [sflag:s22], s20  }
0x9f: {  	s3 =	ssub.s32 $0x0, s20;
	[sflag:s22] =	ssyncset.done $0x0  }
0xa0: {  	[sflag:s22] =	ssyncadd.s32 s3;
	_ =	sdelay $0x1  }
0xa1: {  	s23 =	simm.s32 $0x1B8B  }
0xa2: {  	_ =	swait.ge [sflag:s23], $0x1  }
0xa3: {  	[sflag:s23] =	ssyncset.done $0x0  }
0xa4: {  	s25 =	simm.s32 $0x1B8E;
	s24 =	sld [smem:$0x3FFE];
	[sflag:s23] =	ssyncadd.s32 $0xFFFFFFFF  }
0xa5: {  	s26 =	simm.s32 $execute0_lowered;
	[smem:$0x3FD2] =	sst s25  }
0xa6: {  	s4 =	sshll.u32 s26, $0x1;
	_ =	strace $0x80000046;
	[dreg:$0x1] =	wrdreg $0xFFFFFFFF  }
0xa7: {  	s28 =	simm.s32 $_size_execute0_lowered;
	s2 =	sadd.s32 s2, s4;
	[dreg:$0x0] =	wrdreg $0x0  }
0xa8: {  	s4 =	sshll.u32 s28, $0x1;
	[dreg:$0x2] =	wrdreg s2  }
0xa9: {  	[dreg:$0x3] =	wrdreg s4  }
0xaa: {  	[dreg:$0x4] =	wrdreg $0xC0  }
0xab: {  	_ =	task [dreg:s6], $0x5FFFF  }
0xac: {  	[dreg:$0x1] =	wrdreg $0xFFFFFFFF  }
0xad: {  	[dreg:$0x0] =	wrdreg $0x60  }
0xae: {  	[dreg:$0x2] =	wrdreg s24  }
0xaf: {  	[dreg:$0x3] =	wrdreg $0xA  }
0xb0: {  	_ =	task.clear_ibuf [dreg:s6], $0x4FFFF;
	_ =	strace $0x90000046  }
0xb1: {  	s29 =	simm.s32 $0xA;
	_ =	strace $0x80000048  }
0xb2: {  	_ =	swait.ge [sflag:s29], $0x1  }
0xb3: {  	[sflag:s29] =	ssyncadd.s32 $0xFFFFFFFF  }
0xb4: {  	_ =	strace $0x90000048  }
0xb5: {  	_ =	sfence  }
0xb6: {  	s30 =	sld [smem:$0x0];
	_ =	sdelay $0x2  }
0xb7: {  	s31 =	sshll.u32 s1, $0xD;
	s1 =	sshrl.u32 s1, $0x2  }
0xb8: {  	s3 =	sand.u32 $0x4000, s31;
	s1 =	sadd.s32 s1, s30  }
0xb9: {  	s0 =	sor.u32 s3, s0;
	s1 =	sshll.u32 s1, $0x11  }
0xba: {  	s0 =	sor.u32 s1, s0  }
0xbb: {  	s0 =	sadd.s32 $0x8F2B, s0  }
0xbc: {  	[sflag:s0] =	ssyncadd.remote.s32 $0x1  }
0xbd: {  	_ =	sfence.sel $0xFFFF  }
0xbe: {  	[dreg:$0x0] =	wrdreg $0xFFFFFFFF;
	(pc) =	sbr.abs _section_cstart, $3  }
0xbf: {  	[dreg:$0x1] =	wrdreg $0xFFFFFFFF  }
0xc0: {  	_ =	task.clear_ibuf [dreg:s6], $0x2FFFF;
	_ =	strace $0x9FFFFFFF  }
0xc1: {  	(tm) =	ssettm $0x7FFFFFFF  }
tec
execute0_lowered:
.L_overlay_start_1:
0x0: {  	(tag) =	ssettag $0x1  }
0x1: {  	s0 =	srdreg.scid;
	s6 =	rddreg [dreg:$0x0]  }
0x2: {  	s1 =	stileid.u32;
	s4 =	simm.s32 $0x1;
	s7 =	simm.s32 $0x2  }
0x3: {  	s9 =	simm.s32 $0x3;
	s14 =	simm.s32 $0x0;
	s10 =	simm.s32 $0x308  }
0x4: {  	s11 =	simm.s32 $0x18710;
	s2 =	sshll.u32 s0, $0x4;
	s0 =	rddreg [dreg:$0x1]  }
.Ltmp0:
0x5: {  	_ =	strace $0x80000047;
	s3 =	sand.u32 $0x10, s2;
	(pc) =	sbr.rel .LBB2_1-.Ltmp0, $4  }
0x6: {  	s12 =	simm.s32 $0x0;
	[sflag:s4] =	ssyncpa.u1 $0x0;
	s5 =	sor.u32 s1, s3  }
0x7: {  	s2 =	sadd.s32 $0x4A200, s6;
	[sflag:s7] =	ssyncpa.u1 $0x0;
	s5 =	smul.u32 $0x188, s5  }
0x8: {  	s3 =	sadd.s32 $0x6A200, s6;
	s6 =	sadd.s32 $0x8AC00, s6;
	[sflag:s9] =	ssyncpa.u1 $0x0  }
0x9: {  	vm0 =	vmmov $0xff;
	vm1 =	vcmask $0x3F20;
	s9 =	simm.s32 $0x188;
	s8 =	sadd.s32 $0x188, s5;
	s13 =	smov.u32 s5  }
.LBB2_10:
0xa: {  	s14 =	sshrl.u32 s13, $0x3  }
0xb: {  	s15 =	sand.u32 $0x7, s13;
	s14 =	sadd.s32 s3, s14  }
0xc: {  	[tilespmem:s9], [sflag:$0x2] =	stream.linear.gather [hbm4b:s14+s15], $0x188, $0x38;
	[tilespmem:$0x18B10] =	vst v63  }
.LBB2_8:
0xd: {  	s14 =	sadd.s32 $0x188, s13  }
0xe: {  	s15 =	smov.u32 s5;
	p0 =	slt.s32 s14, s8  }
0xf: {  	s15 =	smov.u32 @p0 s14  }
0x10: {  	s12 =	sadd.s32 $0x1, s12;
	s14 =	smov.u32 s13;
	s13 =	smov.u32 s15  }
.LBB2_1:
0x11: {  	p0 =	seq.s32 s12, $0x0  }
.Ltmp1:
0x12: {  	_ = 	snop;
	(pc) =	sbr.rel @p0 .LBB2_10-.Ltmp1, $1  }
0x13: {  	_ =	sdelay $0x3  }
0x14: {  	p0 =	seq.s32 s12, $0x1  }
.Ltmp2:
0x15: {  	_ = 	snop;
	(pc) =	sbr.rel @!p0 .LBB2_9-.Ltmp2, $1  }
0x16: {  	_ =	sdelay $0x3  }
0x17: {  	_ =	swait.ge [sflag:s7], $0x188  }
0x18: {  	[sflag:s7] =	ssyncset.done $0x0  }
0x19: {  	s15 =	simm.s32 $0x0;
	[sflag:s7] =	ssyncadd.s32 $0xFFFFFE78  }
0x1a: {  	v0 =	vld.msk [tilespmem:s15+$0x188 ss:$0x1], $0xffff;
	_ =	sdelay $0x4  }
0x1b: {  	vm2 =	vgt.s32 v0, $0x0  }
0x1c: {  	v0 =	vnsel vm2, $0x0, v0  }
0x1d: {  	v0 =	vmin.u32 v0, $0x1FFF  }
0x1e: {  	v0 =	vshll.u32 v0, $0x4;
	_ =	sdelay $0x3  }
0x1f: {  	s15 =	simm.s32 $0xC710  }
0x20: {  	[tilespmem:s15], [sflag:$0x1] =	stream.indirect_vreg.gather [hbm:s2], $0x80, v0, vm0, $0x38;
	[tilespmem:$0x18B10] =	vst v63  }
0x21: {  	s16 =	simm.s32 $0xCB10;
	s31 =	simm.s32 $0x10  }
0x22: {  	[tilespmem:s16], [sflag:$0x1] =	stream.indirect_vreg.gather [hbm:s2], $0x80, v0, vm1, $0x38;
	[tilespmem:$0x18B10] =	vst v63  }
0x23: {  	s16 =	simm.s32 $0x80;
	v0 =	vld.msk [tilespmem:s31+$0x188 ss:$0x1], $0xffff  }
.LBB2_4:
0x24: {  	p0 =	sne.s32 s16, $0x5C0;
	_ =	sdelay $0x4  }
0x25: {  	vm2 =	vgt.s32 v0, $0x0  }
0x26: {  	v0 =	vnsel vm2, $0x0, v0  }
0x27: {  	v0 =	vmin.u32 v0, $0x1FFF  }
0x28: {  	v0 =	vshll.u32 v0, $0x4;
	_ =	sdelay $0x3  }
.Ltmp3:
0x29: {  	s15 =	sadd.s32 $0x800, s15;
	(pc) =	sbr.rel @p0 .LBB2_4-.Ltmp3, $4  }
0x2a: {  	[tilespmem:s15], [sflag:$0x1] =	stream.indirect_vreg.gather [hbm:s2], $0x80, v0, vm0, $0x38;
	[tilespmem:$0x18B10] =	vst v63  }
0x2b: {  	s17 =	sshra.s32 s16, $0x2;
	s18 =	sadd.s32 $0x400, s15  }
0x2c: {  	[tilespmem:s18], [sflag:$0x1] =	stream.indirect_vreg.gather [hbm:s2], $0x80, v0, vm1, $0x38;
	[tilespmem:$0x18B10] =	vst v63  }
0x2d: {  	s16 =	sadd.s32 $0x40, s16;
	v0 =	vld.msk [tilespmem:s17+$0x188 ss:$0x1], $0xffff  }
0x2e: {  	_ =	sdelay $0x3  }
0x2f: {  	vm2 =	vgt.s32 v0, $0x0  }
0x30: {  	v0 =	vnsel vm2, $0x0, v0  }
0x31: {  	v0 =	vmin.u32 v0, $0x1FFF  }
0x32: {  	v0 =	vshll.u32 v0, $0x4;
	_ =	sdelay $0x3  }
0x33: {  	s15 =	sadd.s32 $0x800, s15  }
0x34: {  	[tilespmem:s15], [sflag:$0x1] =	stream.indirect_vreg.gather [hbm:s2], $0x80, v0, vm0, $0x38;
	[tilespmem:$0x18B10] =	vst v63  }
0x35: {  	s15 =	sadd.s32 $0x400, s15  }
0x36: {  	[tilespmem:s15], [sflag:$0x1] =	stream.indirect_vreg.gather [hbm:s2], $0x80, v0, vm1, $0x38;
	[tilespmem:$0x18B10] =	vst v63  }
0x37: {  	v0 =	vld.msk [tilespmem:s10+$0x0 ss:$0x1], $0xff;
	_ =	sdelay $0x4  }
0x38: {  	vm2 =	vgt.s32 v0, $0x0  }
0x39: {  	v0 =	vnsel vm2, $0x0, v0  }
0x3a: {  	v0 =	vmin.u32 v0, $0x1FFF  }
0x3b: {  	v0 =	vshll.u32 v0, $0x4;
	_ =	sdelay $0x4  }
0x3c: {  	[tilespmem:s11], [sflag:$0x1] =	stream.indirect_vreg.gather [hbm:s2], $0x80, v0, vm0, $0x38;
	[tilespmem:$0x18B10] =	vst v63  }
0x3d: {  	s14 =	sshll.u32 s14, $0x4;
	s16 =	simm.s32 $0x80;
	_ =	swait.ge [sflag:s4], $0xC400  }
0x3e: {  	s17 =	simm.s32 $0xCB10;
	s14 =	sadd.s32 s14, s6;
	[sflag:s4] =	ssyncset.done $0x0  }
0x3f: {  	s18 =	sadd.s32 $0x0, s14;
	s15 =	simm.s32 $0xC710;
	[sflag:s4] =	ssyncadd.s32 $0xFFFF3C00  }
.LBB2_6:
0x40: {  	[hbm:s18] =	stream.linear.scatter [tilespmem:s15], [sflag:$0x3], $0x400, $0x38;
	[tilespmem:$0x18B10] =	vst v63  }
0x41: {  	s18 =	smov.u32 s16;
	s15 =	smov.u32 s17;
	p0 =	seq.s32 s16, $0x1800  }
.Ltmp4:
0x42: {  	s16 =	sadd.s32 $0x80, s16;
	(pc) =	sbr.rel @!p0 .LBB2_6-.Ltmp4, $2  }
0x43: {  	_ =	sdelay $0x2  }
0x44: {  	s17 =	sadd.s32 $0x400, s17;
	s18 =	sadd.s32 s18, s14  }
.Ltmp5:
0x45: {  	(pc) =	sbr.rel .LBB2_8-.Ltmp5, $2  }
0x46: {  	_ =	sdelay $0x2  }
0x47: {  	[hbm:s18] =	stream.linear.scatter [tilespmem:s15], [sflag:$0x3], $0x400, $0x38;
	[tilespmem:$0x18B10] =	vst v63  }
.LBB2_9:
0x48: {  	s2 =	simm.s32 $0x3  }
0x49: {  	_ =	swait.ge [sflag:s2], $0xC400  }
0x4a: {  	[sflag:s2] =	ssyncset.done $0x0  }
0x4b: {  	[sflag:s2] =	ssyncadd.s32 $0xFFFF3C00  }
0x4c: {  	_ =	sfence.sel $0x180000  }
0x4d: {  	s3 =	simm.s32 $0x2;
	[bflag:$0x0] =	sbarrier.arrive $0xFFFF  }
0x4e: {  	[sflag:s3] =	ssyncpa.u1 $0x1  }
0x4f: {  	s31 =	simm.s32 $0x1;
	[sflag:s2] =	ssyncpa.u1 $0x1  }
0x50: {  	[sflag:s31] =	ssyncpa.u1 $0x1  }
0x51: {  	p0 =	sne.s32 s1, $0x0;
	_ =	strace $0x90000047  }
0x52: {  	s0 =	sadd.s32 @!p0 $0x100000, s0;
	[bflag:$0x2] =	sbarrier.arrive $0xFFFF  }
0x53: {  	[sflag:s0] =	ssyncadd.tile.s32 @!p0 $0x1;
	_ =	shalt  }
.Lfunc_end2:
_tile_overlayer_lowered:
.L_overlay_start_2:
0x54: {  	(tag) =	ssettag $0x2  }
0x55: {  	s0 =	rddreg [dreg:$0x0];
	s2 =	stileid.u32  }
0x56: {  	s1 =	rddreg [dreg:$0x1];
	p0 =	sne.s32 s2, $0x0  }
0x57: {  	s3 =	rddreg [dreg:$0x2];
	[bflag:$0x3] =	sbarrier.arrive $0xFFFF;
	s2 =	simm.s32 @!p0 $0x1C01  }
0x58: {  	[timem:s3], [sflag:s2] =	dma.local @!p0 [hbm:s0], s1  }
0x59: {  	s0 =	simm.s32 @!p0 $0x1  }
0x5a: {  	_ =	swait.ge @!p0 [sflag:s0], s1  }
0x5b: {  	s1 =	ssub.s32 @!p0 $0x0, s1;
	[sflag:s0] =	ssyncset.done @!p0 $0x0  }
0x5c: {  	[sflag:s0] =	ssyncadd.s32 @!p0 s1  }
0x5d: {  	[bflag:$0x3] =	sbarrier.arrive $0xFFFF  }
0x5e: {  	_ =	shalt  }

// kernel: gather_offload_async_start
scs
__scs_entry_jumppad:
0x0: {  	(pc) =	sbr.rel $0x88, $3  }
0x1: {  	(tag) =	ssettag $0x0;
	lr =	simm.s32 $0x1  }
0x2: {  	[smem:$0x3F96] =	sst lr;
	_ =	strace $0xD0000000  }
0x3: {  	_ = 	snop  }
0x4: {  	_ = 	snop  }
0x5: {  	_ = 	snop  }
0x6: {  	_ = 	snop  }
0x7: {  	_ = 	snop  }
__scs_overlays_trampoline_lowered:
0x8: {  	[smem:$0x3FA5] =	sst s0  }
0x9: {  	[smem:$0x3FA6] =	sst s1  }
0xa: {  	[smem:$0x3FA7] =	sst s2  }
0xb: {  	[smem:$0x3FA8] =	sst s3  }
0xc: {  	[smem:$0x3FA9] =	sst s4  }
0xd: {  	[smem:$0x3FAA] =	sst s5  }
0xe: {  	[smem:$0x3FAB] =	sst s6  }
0xf: {  	[smem:$0x3FAC] =	sst s7  }
0x10: {  	[smem:$0x3FAD] =	sst s8  }
0x11: {  	[smem:$0x3FAE] =	sst s9;
	s0 =	simm.s32 @!p0 $0x0  }
0x12: {  	s1 =	sld [smem:$0x3F94];
	s0 =	simm.s32 @p0 $0x1  }
0x13: {  	[smem:$0x3FAF] =	sst s0;
	s0 =	simm.s32 @!p1 $0x0  }
0x14: {  	s2 =	sld [smem:$0x3F93];
	s0 =	simm.s32 @p1 $0x1  }
0x15: {  	[smem:$0x3FB0] =	sst s0;
	s0 =	simm.s32 @!p2 $0x0  }
0x16: {  	s3 =	sld [smem:$0x3FDB];
	s0 =	simm.s32 @p2 $0x1  }
0x17: {  	s4 =	simm.s32 $0x1BF5;
	[smem:$0x3FB2] =	sst s0  }
0x18: {  	s0 =	sld [smem:$0x3F95];
	_ =	swait.ge [sflag:s4], $0x0  }
0x19: {  	s7 =	sld [smem:$0x3F96]  }
0x1a: {  	s8 =	sadd.s32 $0xFFFFE003, lr  }
0x1b: {  	s9 =	sadd.s32 $0xFFFFFEF7, lr;
	s5 =	simm.s32 $0xFFFFFFFF;
	p2 =	slt.u32 s8, $0xFFFFF086  }
0x1c: {  	p1 =	slt.u32 s9, $0xF7A;
	s5 =	simm.s32 @!p2 $0x0  }
0x1d: {  	s5 =	simm.s32 @p1 $0x1;
	p0 =	seq.s32 s7, s2  }
0x1e: {  	s7 =	smul.u32 @!p0 $0xF7A, s2;
	p2 =	seq.s32 @!p0 s5, $0x0  }
0x1f: {  	s9 =	smul.u32 $0xF7A, s1;
	s8 =	simm.s32 @!p0 $0x1BF5;
	p2 =	por !p2, p0  }
0x20: {  	[sflag:s8] =	ssyncset.s32 @!p0 $0xFFFFF086;
	s6 =	sadd.s32 @!p0 s3, s7;
	s7 =	simm.s32 @!p0 $0x108  }
0x21: {  	s3 =	sadd.s32 s3, s9;
	s6 =	sadd.s32 @!p0 $0x88, s6;
	s7 =	simm.s32 @p2 $0x1082  }
0x22: {  	[simem:s7], [sflag:s8] =	dma.local @!p0 [hbm:s6], $0xF7A  }
0x23: {  	s9 =	sor.u32 $0xD0000000, s2;
	s6 =	simm.s32 $0x108;
	_ =	swait.ge @!p0 [sflag:s8], $0x0  }
0x24: {  	s3 =	sadd.s32 $0x88, s3;
	s6 =	simm.s32 @!p1 $0x1082;
	[sflag:s4] =	ssyncset.s32 $0xFFFFF086  }
0x25: {  	[simem:s6], [sflag:s4] =	dma.local [hbm:s3], $0xF7A  }
0x26: {  	[smem:$0x3F96] =	sst s1;
	(tag) =	ssettag s2;
	_ =	strace s9  }
0x27: {  	s1 =	sld [smem:$0x3FA6]  }
0x28: {  	s2 =	sld [smem:$0x3FA7]  }
0x29: {  	s4 =	sld [smem:$0x3FA9]  }
0x2a: {  	p0 =	seq.s32 s5, $0x0;
	s5 =	sld [smem:$0x3FAA]  }
0x2b: {  	s6 =	sld [smem:$0x3FAB]  }
0x2c: {  	s7 =	sld [smem:$0x3FAC]  }
0x2d: {  	s3 =	simm.s32 $0x108;
	s8 =	sld [smem:$0x3FAD]  }
0x2e: {  	s3 =	simm.s32 @!p0 $0x1082;
	s9 =	sld [smem:$0x3FAE]  }
0x2f: {  	lr =	sadd.s32 s0, s3;
	s0 =	sld [smem:$0x3FA5]  }
0x30: {  	s3 =	sld [smem:$0x3FA8]  }
0x31: {  	[smem:$0x3FB1] =	sst s10  }
0x32: {  	s10 =	sld [smem:$0x3FAF];
	_ =	sdelay $0x3  }
0x33: {  	p0 =	seq.s32 s10, $0x1;
	s10 =	sld [smem:$0x3FB1];
	_ =	sdelay $0x3  }
0x34: {  	[smem:$0x3FB1] =	sst s10  }
0x35: {  	s10 =	sld [smem:$0x3FB0];
	_ =	sdelay $0x3  }
0x36: {  	p1 =	seq.s32 s10, $0x1;
	s10 =	sld [smem:$0x3FB1];
	_ =	sdelay $0x3  }
0x37: {  	[smem:$0x3FB1] =	sst s10  }
0x38: {  	s10 =	sld [smem:$0x3FB2]  }
0x39: {  	_ = 	snop;
	(pc) =	sbr.ind lr, $3  }
0x3a: {  	_ = 	snop  }
0x3b: {  	_ = 	snop  }
0x3c: {  	p2 =	seq.s32 s10, $0x1;
	s10 =	sld [smem:$0x3FB1]  }
0x3d: {  	_ =	shalt  }
0x3e: {  	_ =	shalt  }
0x3f: {  	_ =	shalt  }
0x40: {  	_ =	shalt  }
0x41: {  	_ =	shalt  }
0x42: {  	_ =	shalt  }
0x43: {  	_ =	shalt  }
0x44: {  	_ =	shalt  }
0x45: {  	_ =	shalt  }
0x46: {  	_ =	shalt  }
0x47: {  	_ =	shalt  }
0x48: {  	_ =	shalt  }
0x49: {  	_ =	shalt  }
0x4a: {  	_ =	shalt  }
0x4b: {  	_ =	shalt  }
0x4c: {  	_ =	shalt  }
0x4d: {  	_ =	shalt  }
0x4e: {  	_ =	shalt  }
0x4f: {  	_ =	shalt  }
0x50: {  	_ =	shalt  }
0x51: {  	_ =	shalt  }
0x52: {  	_ =	shalt  }
0x53: {  	_ =	shalt  }
0x54: {  	_ =	shalt  }
0x55: {  	_ =	shalt  }
0x56: {  	_ =	shalt  }
0x57: {  	_ =	shalt  }
0x58: {  	_ =	shalt  }
0x59: {  	_ =	shalt  }
0x5a: {  	_ =	shalt  }
0x5b: {  	_ =	shalt  }
0x5c: {  	_ =	shalt  }
0x5d: {  	_ =	shalt  }
0x5e: {  	_ =	shalt  }
0x5f: {  	_ =	shalt  }
0x60: {  	_ =	shalt  }
0x61: {  	_ =	shalt  }
0x62: {  	_ =	shalt  }
0x63: {  	_ =	shalt  }
0x64: {  	_ =	shalt  }
0x65: {  	_ =	shalt  }
0x66: {  	_ =	shalt  }
0x67: {  	_ =	shalt  }
0x68: {  	_ =	shalt  }
0x69: {  	_ =	shalt  }
0x6a: {  	_ =	shalt  }
0x6b: {  	_ =	shalt  }
0x6c: {  	_ =	shalt  }
0x6d: {  	_ =	shalt  }
0x6e: {  	_ =	shalt  }
0x6f: {  	_ =	shalt  }
0x70: {  	_ =	shalt  }
0x71: {  	_ =	shalt  }
0x72: {  	_ =	shalt  }
0x73: {  	_ =	shalt  }
0x74: {  	_ =	shalt  }
0x75: {  	_ =	shalt  }
0x76: {  	_ =	shalt  }
0x77: {  	_ =	shalt  }
0x78: {  	_ =	shalt  }
0x79: {  	_ =	shalt  }
0x7a: {  	_ =	shalt  }
0x7b: {  	_ =	shalt  }
0x7c: {  	_ =	shalt  }
0x7d: {  	_ =	shalt  }
0x7e: {  	_ =	shalt  }
0x7f: {  	_ =	shalt  }
0x80: {  	_ =	shalt  }
0x81: {  	_ =	shalt  }
0x82: {  	_ =	shalt  }
0x83: {  	_ =	shalt  }
0x84: {  	_ =	shalt  }
0x85: {  	_ =	shalt  }
0x86: {  	_ =	shalt  }
0x87: {  	_ =	shalt  }
.Lfunc_end0:
.L_simem_size_0:
called_computation_lowered:
.L_overlay_start_0:
0x88: {  	s2 =	sld [smem:$0x3FD9]  }
0x89: {  	s3 =	sld [smem:$0x3FFE];
	_ =	sdelay $0x1  }
0x8a: {  	s1 =	srdreg.scid  }
0x8b: {  	s0 =	sand.u32 $0x1, s1  }
0x8c: {  	s17 =	sshll.u32 s0, $0xA;
	s2 =	sadd.s32 s3, s2  }
0x8d: {  	s2 =	sadd.s32 s2, s17  }
0x8e: {  	[smem:$0x3FBD] =	sst s2  }
0x8f: {  	_ = 	snop  }
0x90: {  	(tm) =	ssettm $0x1  }
0x91: {  	s18 =	sld [smem:$0x3FFB];
	_ =	sdelay $0x3  }
0x92: {  	_ =	strace s18  }
0x93: {  	s2 =	sld [smem:$0x3FFC];
	_ =	sdelay $0x3  }
0x94: {  	_ =	strace s2  }
0x95: {  	s2 =	sld [smem:$0x3FFD];
	_ =	sdelay $0x3  }
0x96: {  	_ =	strace s2  }
0x97: {  	_ =	strace $0x8FFFFFFF  }
0x98: {  	s19 =	sld [smem:$0x3FDB];
	_ =	sdelay $0x1  }
0x99: {  	s20 =	simm.s32 $_scs_section_size  }
0x9a: {  	s4 =	simm.s32 $_size__tile_overlayer_lowered;
	s5 =	simm.s32 $_tile_overlayer_lowered  }
0x9b: {  	s6 =	simm.s32 $0x1BFF;
	s21 =	sshll.u32 s5, $0x1;
	s3 =	sadd.s32 s20, s19  }
0x9c: {  	s22 =	simm.s32 $0x0;
	s4 =	sshll.u32 s4, $0x1;
	s5 =	sadd.s32 s21, s3  }
0x9d: {  	[timem:s22], [sflag:s6] =	dma.local [hbm:s5], s4  }
0x9e: {  	_ =	swait.ge [sflag:s6], s4  }
0x9f: {  	s4 =	ssub.s32 $0x0, s4;
	[sflag:s6] =	ssyncset.done $0x0  }
0xa0: {  	[sflag:s6] =	ssyncadd.s32 s4;
	_ =	sdelay $0x1  }
0xa1: {  	s23 =	simm.s32 $0x1B8B  }
0xa2: {  	_ =	swait.ge [sflag:s23], $0x1  }
0xa3: {  	[sflag:s23] =	ssyncset.done $0x0  }
0xa4: {  	[sflag:s23] =	ssyncadd.s32 $0xFFFFFFFF  }
0xa5: {  	s4 =	sld [smem:$0x0]  }
0xa6: {  	s5 =	sand.u32 $0xFFFFFFFE, s1  }
0xa7: {  	p0 =	sne.s32 s1, s5  }
0xa8: {  	s5 =	sshll.u32 @p0 s5, $0xE  }
0xa9: {  	s5 =	sadd.s32 @p0 $0x11B8D, s5;
	s6 =	sshll.u32 @p0 s4, $0x11  }
0xaa: {  	s5 =	sor.u32 @p0 s6, s5  }
0xab: {  	[sflag:s5] =	ssyncadd.remote.s32 @p0 $0x1;
	_ =	sdelay $0x1  }
0xac: {  	s5 =	simm.s32 @p0 $0x1B8D  }
0xad: {  	_ =	swait.eq @p0 [sflag:s5], $0x1  }
0xae: {  	[sflag:s5] =	ssyncadd.s32 @p0 $0xFFFFFFFF  }
0xaf: {  	s6 =	sshll.u32 @!p0 s1, $0xE  }
0xb0: {  	s6 =	sor.u32 @!p0 $0x4000, s6;
	s5 =	simm.s32 @!p0 $0x1B8D  }
0xb1: {  	s4 =	sshll.u32 @!p0 s4, $0x11;
	s6 =	sadd.s32 @!p0 $0x11B8D, s6;
	_ =	swait.eq @!p0 [sflag:s5], $0x1  }
0xb2: {  	s4 =	sor.u32 @!p0 s4, s6;
	[sflag:s5] =	ssyncadd.s32 @!p0 $0xFFFFFFFF  }
0xb3: {  	s25 =	simm.s32 $0x1B8E;
	s24 =	sld [smem:$0x3FFE];
	[sflag:s4] =	ssyncadd.remote.s32 @!p0 $0x1  }
0xb4: {  	s26 =	simm.s32 $execute0_lowered;
	[smem:$0x3FD2] =	sst s25  }
0xb5: {  	s5 =	sshll.u32 s26, $0x1;
	_ =	strace $0x80000049;
	[dreg:$0x1] =	wrdreg $0xFFFFFFFF  }
0xb6: {  	s28 =	simm.s32 $_size_execute0_lowered;
	s3 =	sadd.s32 s3, s5;
	[dreg:$0x0] =	wrdreg $0x0  }
0xb7: {  	s5 =	sshll.u32 s28, $0x1;
	[dreg:$0x2] =	wrdreg s3  }
0xb8: {  	[dreg:$0x3] =	wrdreg s5  }
0xb9: {  	[dreg:$0x4] =	wrdreg $0xC0  }
0xba: {  	_ =	task [dreg:s22], $0x5FFFF  }
0xbb: {  	[dreg:$0x1] =	wrdreg $0xFFFFFFFF  }
0xbc: {  	[dreg:$0x0] =	wrdreg $0x60  }
0xbd: {  	[dreg:$0x2] =	wrdreg s24  }
0xbe: {  	[dreg:$0x3] =	wrdreg $0x9  }
0xbf: {  	_ =	task.clear_ibuf [dreg:s22], $0x4FFFF;
	_ =	strace $0x90000049  }
0xc0: {  	s29 =	simm.s32 $0x9;
	_ =	strace $0x8000004B  }
0xc1: {  	_ =	swait.ge [sflag:s29], $0x1  }
0xc2: {  	[sflag:s29] =	ssyncadd.s32 $0xFFFFFFFF  }
0xc3: {  	_ =	strace $0x9000004B  }
0xc4: {  	_ =	sfence  }
0xc5: {  	s30 =	sld [smem:$0x0];
	_ =	sdelay $0x2  }
0xc6: {  	s31 =	sshll.u32 s1, $0xD;
	s1 =	sshrl.u32 s1, $0x2  }
0xc7: {  	s4 =	sand.u32 $0x4000, s31;
	s1 =	sadd.s32 s1, s30  }
0xc8: {  	s0 =	sor.u32 s4, s0;
	s1 =	sshll.u32 s1, $0x11  }
0xc9: {  	s0 =	sor.u32 s1, s0  }
0xca: {  	s0 =	sadd.s32 $0x8F2B, s0  }
0xcb: {  	[sflag:s0] =	ssyncadd.remote.s32 $0x1  }
0xcc: {  	_ =	sfence.sel $0xFFFF  }
0xcd: {  	[dreg:$0x0] =	wrdreg $0xFFFFFFFF;
	(pc) =	sbr.abs _section_cstart, $3  }
0xce: {  	[dreg:$0x1] =	wrdreg $0xFFFFFFFF  }
0xcf: {  	_ =	task.clear_ibuf [dreg:s22], $0x2FFFF;
	_ =	strace $0x9FFFFFFF  }
0xd0: {  	(tm) =	ssettm $0x7FFFFFFF  }
0xd1: {  	_ =	shalt  }
tec
execute0_lowered:
.L_overlay_start_1:
0x0: {  	(tag) =	ssettag $0x1  }
0x1: {  	s0 =	srdreg.scid;
	s6 =	rddreg [dreg:$0x0]  }
0x2: {  	s1 =	stileid.u32;
	s4 =	simm.s32 $0x1;
	s7 =	simm.s32 $0x2  }
0x3: {  	s9 =	simm.s32 $0x3;
	s14 =	simm.s32 $0x0;
	s10 =	simm.s32 $0x308  }
0x4: {  	s11 =	simm.s32 $0x18710;
	s2 =	sshll.u32 s0, $0x4;
	s0 =	rddreg [dreg:$0x1]  }
.Ltmp0:
0x5: {  	_ =	strace $0x8000004A;
	s3 =	sand.u32 $0x10, s2;
	(pc) =	sbr.rel .LBB2_1-.Ltmp0, $4  }
0x6: {  	s12 =	simm.s32 $0x0;
	[sflag:s4] =	ssyncpa.u1 $0x0;
	s5 =	sor.u32 s1, s3  }
0x7: {  	s2 =	sadd.s32 $0x6AC00, s6;
	[sflag:s7] =	ssyncpa.u1 $0x0;
	s5 =	smul.u32 $0x188, s5  }
0x8: {  	s3 =	sadd.s32 $0x33000, s6;
	s6 =	sadd.s32 $0xBBC00, s6;
	[sflag:s9] =	ssyncpa.u1 $0x0  }
0x9: {  	vm0 =	vmmov $0xff;
	vm1 =	vcmask $0x3F20;
	s9 =	simm.s32 $0x188;
	s8 =	sadd.s32 $0x188, s5;
	s13 =	smov.u32 s5  }
.LBB2_10:
0xa: {  	s14 =	sshrl.u32 s13, $0x3  }
0xb: {  	s15 =	sand.u32 $0x7, s13;
	s14 =	sadd.s32 s3, s14  }
0xc: {  	[tilespmem:s9], [sflag:$0x2] =	stream.linear.gather [hbm4b:s14+s15], $0x188, $0x38;
	[tilespmem:$0x18B10] =	vst v63  }
.LBB2_8:
0xd: {  	s14 =	sadd.s32 $0x188, s13  }
0xe: {  	s15 =	smov.u32 s5;
	p0 =	slt.s32 s14, s8  }
0xf: {  	s15 =	smov.u32 @p0 s14  }
0x10: {  	s12 =	sadd.s32 $0x1, s12;
	s14 =	smov.u32 s13;
	s13 =	smov.u32 s15  }
.LBB2_1:
0x11: {  	p0 =	seq.s32 s12, $0x0  }
.Ltmp1:
0x12: {  	_ = 	snop;
	(pc) =	sbr.rel @p0 .LBB2_10-.Ltmp1, $1  }
0x13: {  	_ =	sdelay $0x3  }
0x14: {  	p0 =	seq.s32 s12, $0x1  }
.Ltmp2:
0x15: {  	_ = 	snop;
	(pc) =	sbr.rel @!p0 .LBB2_9-.Ltmp2, $1  }
0x16: {  	_ =	sdelay $0x3  }
0x17: {  	_ =	swait.ge [sflag:s7], $0x188  }
0x18: {  	[sflag:s7] =	ssyncset.done $0x0  }
0x19: {  	s15 =	simm.s32 $0x0;
	[sflag:s7] =	ssyncadd.s32 $0xFFFFFE78  }
0x1a: {  	v0 =	vld.msk [tilespmem:s15+$0x188 ss:$0x1], $0xffff;
	_ =	sdelay $0x4  }
0x1b: {  	vm2 =	vgt.s32 v0, $0x0  }
0x1c: {  	v0 =	vnsel vm2, $0x0, v0  }
0x1d: {  	v0 =	vmin.u32 v0, $0x1FFF  }
0x1e: {  	v0 =	vshll.u32 v0, $0x4;
	_ =	sdelay $0x3  }
0x1f: {  	s15 =	simm.s32 $0xC710  }
0x20: {  	[tilespmem:s15], [sflag:$0x1] =	stream.indirect_vreg.gather [hbm:s2], $0x80, v0, vm0, $0x38;
	[tilespmem:$0x18B10] =	vst v63  }
0x21: {  	s16 =	simm.s32 $0xCB10;
	s31 =	simm.s32 $0x10  }
0x22: {  	[tilespmem:s16], [sflag:$0x1] =	stream.indirect_vreg.gather [hbm:s2], $0x80, v0, vm1, $0x38;
	[tilespmem:$0x18B10] =	vst v63  }
0x23: {  	s16 =	simm.s32 $0x80;
	v0 =	vld.msk [tilespmem:s31+$0x188 ss:$0x1], $0xffff  }
.LBB2_4:
0x24: {  	p0 =	sne.s32 s16, $0x5C0;
	_ =	sdelay $0x4  }
0x25: {  	vm2 =	vgt.s32 v0, $0x0  }
0x26: {  	v0 =	vnsel vm2, $0x0, v0  }
0x27: {  	v0 =	vmin.u32 v0, $0x1FFF  }
0x28: {  	v0 =	vshll.u32 v0, $0x4;
	_ =	sdelay $0x3  }
.Ltmp3:
0x29: {  	s15 =	sadd.s32 $0x800, s15;
	(pc) =	sbr.rel @p0 .LBB2_4-.Ltmp3, $4  }
0x2a: {  	[tilespmem:s15], [sflag:$0x1] =	stream.indirect_vreg.gather [hbm:s2], $0x80, v0, vm0, $0x38;
	[tilespmem:$0x18B10] =	vst v63  }
0x2b: {  	s17 =	sshra.s32 s16, $0x2;
	s18 =	sadd.s32 $0x400, s15  }
0x2c: {  	[tilespmem:s18], [sflag:$0x1] =	stream.indirect_vreg.gather [hbm:s2], $0x80, v0, vm1, $0x38;
	[tilespmem:$0x18B10] =	vst v63  }
0x2d: {  	s16 =	sadd.s32 $0x40, s16;
	v0 =	vld.msk [tilespmem:s17+$0x188 ss:$0x1], $0xffff  }
0x2e: {  	_ =	sdelay $0x3  }
0x2f: {  	vm2 =	vgt.s32 v0, $0x0  }
0x30: {  	v0 =	vnsel vm2, $0x0, v0  }
0x31: {  	v0 =	vmin.u32 v0, $0x1FFF  }
0x32: {  	v0 =	vshll.u32 v0, $0x4;
	_ =	sdelay $0x3  }
0x33: {  	s15 =	sadd.s32 $0x800, s15  }
0x34: {  	[tilespmem:s15], [sflag:$0x1] =	stream.indirect_vreg.gather [hbm:s2], $0x80, v0, vm0, $0x38;
	[tilespmem:$0x18B10] =	vst v63  }
0x35: {  	s15 =	sadd.s32 $0x400, s15  }
0x36: {  	[tilespmem:s15], [sflag:$0x1] =	stream.indirect_vreg.gather [hbm:s2], $0x80, v0, vm1, $0x38;
	[tilespmem:$0x18B10] =	vst v63  }
0x37: {  	v0 =	vld.msk [tilespmem:s10+$0x0 ss:$0x1], $0xff;
	_ =	sdelay $0x4  }
0x38: {  	vm2 =	vgt.s32 v0, $0x0  }
0x39: {  	v0 =	vnsel vm2, $0x0, v0  }
0x3a: {  	v0 =	vmin.u32 v0, $0x1FFF  }
0x3b: {  	v0 =	vshll.u32 v0, $0x4;
	_ =	sdelay $0x4  }
0x3c: {  	[tilespmem:s11], [sflag:$0x1] =	stream.indirect_vreg.gather [hbm:s2], $0x80, v0, vm0, $0x38;
	[tilespmem:$0x18B10] =	vst v63  }
0x3d: {  	s14 =	sshll.u32 s14, $0x4;
	s16 =	simm.s32 $0x80;
	_ =	swait.ge [sflag:s4], $0xC400  }
0x3e: {  	s17 =	simm.s32 $0xCB10;
	s14 =	sadd.s32 s14, s6;
	[sflag:s4] =	ssyncset.done $0x0  }
0x3f: {  	s18 =	sadd.s32 $0x0, s14;
	s15 =	simm.s32 $0xC710;
	[sflag:s4] =	ssyncadd.s32 $0xFFFF3C00  }
.LBB2_6:
0x40: {  	[hbm:s18] =	stream.linear.scatter [tilespmem:s15], [sflag:$0x3], $0x400, $0x38;
	[tilespmem:$0x18B10] =	vst v63  }
0x41: {  	s18 =	smov.u32 s16;
	s15 =	smov.u32 s17;
	p0 =	seq.s32 s16, $0x1800  }
.Ltmp4:
0x42: {  	s16 =	sadd.s32 $0x80, s16;
	(pc) =	sbr.rel @!p0 .LBB2_6-.Ltmp4, $2  }
0x43: {  	_ =	sdelay $0x2  }
0x44: {  	s17 =	sadd.s32 $0x400, s17;
	s18 =	sadd.s32 s18, s14  }
.Ltmp5:
0x45: {  	(pc) =	sbr.rel .LBB2_8-.Ltmp5, $2  }
0x46: {  	_ =	sdelay $0x2  }
0x47: {  	[hbm:s18] =	stream.linear.scatter [tilespmem:s15], [sflag:$0x3], $0x400, $0x38;
	[tilespmem:$0x18B10] =	vst v63  }
.LBB2_9:
0x48: {  	s2 =	simm.s32 $0x3  }
0x49: {  	_ =	swait.ge [sflag:s2], $0xC400  }
0x4a: {  	[sflag:s2] =	ssyncset.done $0x0  }
0x4b: {  	[sflag:s2] =	ssyncadd.s32 $0xFFFF3C00  }
0x4c: {  	_ =	sfence.sel $0x180000  }
0x4d: {  	s3 =	simm.s32 $0x2;
	[bflag:$0x0] =	sbarrier.arrive $0xFFFF  }
0x4e: {  	[sflag:s3] =	ssyncpa.u1 $0x1  }
0x4f: {  	s31 =	simm.s32 $0x1;
	[sflag:s2] =	ssyncpa.u1 $0x1  }
0x50: {  	[sflag:s31] =	ssyncpa.u1 $0x1  }
0x51: {  	p0 =	sne.s32 s1, $0x0;
	_ =	strace $0x9000004A  }
0x52: {  	s0 =	sadd.s32 @!p0 $0x100000, s0;
	[bflag:$0x2] =	sbarrier.arrive $0xFFFF  }
0x53: {  	[sflag:s0] =	ssyncadd.tile.s32 @!p0 $0x1;
	_ =	shalt  }
.Lfunc_end2:
_tile_overlayer_lowered:
.L_overlay_start_2:
0x54: {  	(tag) =	ssettag $0x2  }
0x55: {  	s0 =	rddreg [dreg:$0x0];
	s2 =	stileid.u32  }
0x56: {  	s1 =	rddreg [dreg:$0x1];
	p0 =	sne.s32 s2, $0x0  }
0x57: {  	s3 =	rddreg [dreg:$0x2];
	[bflag:$0x3] =	sbarrier.arrive $0xFFFF;
	s2 =	simm.s32 @!p0 $0x1C01  }
0x58: {  	[timem:s3], [sflag:s2] =	dma.local @!p0 [hbm:s0], s1  }
0x59: {  	s0 =	simm.s32 @!p0 $0x1  }
0x5a: {  	_ =	swait.ge @!p0 [sflag:s0], s1  }
0x5b: {  	s1 =	ssub.s32 @!p0 $0x0, s1;
	[sflag:s0] =	ssyncset.done @!p0 $0x0  }
0x5c: {  	[sflag:s0] =	ssyncadd.s32 @!p0 s1  }
0x5d: {  	[bflag:$0x3] =	sbarrier.arrive $0xFFFF  }
0x5e: {  	_ =	shalt  }

</sc_bundles>
